<compile_context>
chip_gen: v7x
topology: tpu7x:2x2x1
jax: 0.10.2.dev20260603
libtpu: 0.0.44.dev20260713+nightly
codegen_flags: <defaults>
</compile_context>

<pallas_src>
import functools

import jax
import jax.numpy as jnp
from jax import lax
from jax.experimental import pallas as pl
from jax.experimental.pallas import tpu as pltpu
from jax.experimental.pallas import tpu_sc as plsc

_VOCAB = 1000
_NDB = 100000
_D = 512
_BN = 2048
_NBLK = (_NDB + _BN - 1) // _BN


def _main_body(x_ref, w_ref, f_ref, dist_ref, closest_ref,
               feats_scr, minv_scr, mini_scr):
    i = pl.program_id(0)

    @pl.when(i == 0)
    def _init():
        y = lax.dot(x_ref[...], w_ref[...],
                    precision=lax.Precision.HIGHEST,
                    preferred_element_type=jnp.float32)
        feats_scr[...] = jnp.max(y.reshape(64, 49, _D), axis=1)
        minv_scr[...] = jnp.full((64, 1), jnp.inf, jnp.float32)
        mini_scr[...] = jnp.zeros((64, 1), jnp.int32)

    feats = feats_scr[...]
    f = f_ref[...]
    dots = lax.dot_general(feats, f, (((1,), (1,)), ((), ())),
                           precision=lax.Precision.HIGHEST,
                           preferred_element_type=jnp.float32)
    b2 = lax.dot_general(jnp.ones((1, _D), jnp.float32), f * f,
                         (((1,), (1,)), ((), ())),
                         precision=lax.Precision.HIGHEST,
                         preferred_element_type=jnp.float32)
    a2 = jnp.sum(feats * feats, axis=1, keepdims=True)
    sq = a2 + b2 - 2.0 * dots
    col = i * _BN + lax.broadcasted_iota(jnp.int32, (64, _BN), 1)
    sq = jnp.where(col < _NDB, sq, jnp.inf)
    dist_ref[...] = jnp.sqrt(jnp.maximum(sq, 0.0))
    blk_min = jnp.min(sq, axis=1, keepdims=True)
    blk_arg = jnp.min(jnp.where(sq == blk_min, col, _NDB),
                      axis=1, keepdims=True)
    better = blk_min < minv_scr[...]
    mini_scr[...] = jnp.where(better, blk_arg, mini_scr[...])
    minv_scr[...] = jnp.where(better, blk_min, minv_scr[...])

    @pl.when(i == pl.num_programs(0) - 1)
    def _fin():
        closest_ref[...] = mini_scr[...]


_main_call = pl.pallas_call(
    _main_body,
    grid=(_NBLK,),
    in_specs=[
        pl.BlockSpec((3136, _D), lambda i: (0, 0)),
        pl.BlockSpec((_D, _D), lambda i: (0, 0)),
        pl.BlockSpec((_BN, _D), lambda i: (i, 0)),
    ],
    out_specs=[
        pl.BlockSpec((64, _BN), lambda i: (0, i)),
        pl.BlockSpec((64, 1), lambda i: (0, 0)),
    ],
    out_shape=[
        jax.ShapeDtypeStruct((64, _NDB), jnp.float32),
        jax.ShapeDtypeStruct((64, 1), jnp.int32),
    ],
    scratch_shapes=[
        pltpu.VMEM((64, _D), jnp.float32),
        pltpu.VMEM((64, 1), jnp.float32),
        pltpu.VMEM((64, 1), jnp.int32),
    ],
    compiler_params=pltpu.CompilerParams(
        dimension_semantics=("arbitrary",)),
)


@functools.cache
def _make_sc_gather():
    @functools.partial(
        pl.kernel,
        mesh=plsc.VectorSubcoreMesh(core_axis_name="c", subcore_axis_name="s"),
        out_type=jax.ShapeDtypeStruct((64, 100), jnp.int32),
        scratch_types=[
            pltpu.VMEM((64,), jnp.int32),
            pltpu.VMEM((64, 100), jnp.int32),
            pltpu.SemaphoreType.DMA,
        ],
        compiler_params=pltpu.CompilerParams(use_tc_tiling_on_sc=True,
                                             needs_layout_passes=False),
    )
    def _sc_gather(idx_hbm, table_hbm, out_hbm, idx_v, rows_v, sem):
        cid = lax.axis_index("c")
        sid = lax.axis_index("s")

        @pl.when(jnp.logical_and(cid == 0, sid == 0))
        def _():
            pltpu.sync_copy(idx_hbm, idx_v)

            def issue(b, carry):
                chunk = idx_v[pl.ds((b >> 4) << 4, 16)]
                mask = lax.iota(jnp.int32, 16) == (b & 15)
                r = jnp.sum(jnp.where(mask, chunk, 0))
                pltpu.async_copy(table_hbm.at[r], rows_v.at[b], sem)
                return carry

            lax.fori_loop(0, 64, issue, 0)
            pltpu.make_async_copy(table_hbm.at[pl.ds(0, 64)], rows_v,
                                  sem).wait()
            pltpu.sync_copy(rows_v, out_hbm)

    return _sc_gather


def _oh_body(ids_ref, oh_ref):
    ids = ids_ref[...]
    iota = lax.broadcasted_iota(jnp.int32, (8, 80, _VOCAB), 2)
    oh_ref[...] = (ids[:, :, None] == iota).astype(jnp.float32)


_oh_call = pl.pallas_call(
    _oh_body,
    grid=(8,),
    in_specs=[pl.BlockSpec((8, 80), lambda i: (i, 0))],
    out_specs=pl.BlockSpec((8, 80, _VOCAB), lambda i: (i, 0, 0)),
    out_shape=jax.ShapeDtypeStruct((64, 80, _VOCAB), jnp.float32),
)


def kernel(images, reports, W_cnn, all_features, all_reports):
    b = images.shape[0]
    x = images.reshape(b, _D, 49).transpose(0, 2, 1).reshape(b * 49, _D)
    dist, closest = _main_call(x, W_cnn, all_features)
    sel = _make_sc_gather()(closest.reshape(b), all_reports)
    ids = sel[:, : reports.shape[1]]
    oh = _oh_call(ids)
    return (oh, dist)

# --- scband reference (transcript-rebuilt; emitter-appended) ---
"""Pipeline reference for scband-most-similar-image-30580167147970 (READ-ONLY COPY).

The authoritative reference and input builder live on the scoring server;
editing this copy changes nothing except your own understanding.
"""

import jax, jax.numpy as jnp
import numpy as np

VOCAB_SIZE = 1000
N_DB = 100000
D_FEAT = 512
DB_REPORT_LEN = 100


def _cdist(a, b):
    # Euclidean distance matrix, matches torch.cdist(p=2)
    a2 = jnp.sum(a * a, axis=-1, keepdims=True)          # [Q, 1]
    b2 = jnp.sum(b * b, axis=-1)[None, :]                # [1, N]
    sq = a2 + b2 - 2.0 * (a @ b.T)
    return jnp.sqrt(jnp.clip(sq, 0.0, None))


def setup_inputs(seed: int = 0) -> dict:
    key = jax.random.key(seed)
    k1, k2, k3, k4, k5 = jax.random.split(key, 5)
    images = jax.random.normal(k1, (64, 512, 7, 7), dtype=jnp.float32)
    reports = jax.random.randint(k2, (64, 80), 0, VOCAB_SIZE)
    # learned/stored state: cnn head (modeled as 1x1 conv channel mixer),
    # fitted database features, and fitted database reports (padded token ids)
    W_cnn = jax.random.normal(k3, (512, D_FEAT), dtype=jnp.float32) * 0.02
    all_features = jax.random.normal(k4, (N_DB, D_FEAT), dtype=jnp.float32)
    all_reports = jax.random.randint(k5, (N_DB, DB_REPORT_LEN), 0, VOCAB_SIZE)
    return {
        "images": images,
        "reports": reports,
        "W_cnn": W_cnn,
        "all_features": all_features,
        "all_reports": all_reports,
    }


def reference(images, reports, W_cnn, all_features, all_reports):
    # images_to_features: cnn (1x1 conv channel mix) -> AdaptiveMaxPool2d((1,1)) -> Flatten
    feats = jnp.einsum("bchw,cd->bdhw", images, W_cnn)
    feats = jnp.max(feats, axis=(2, 3))                  # [B, D_FEAT]
    feats = jax.lax.stop_gradient(feats)                 # torch.no_grad()
    distances = _cdist(feats, all_features)              # [B, N_DB]
    closest = jnp.argmin(distances, axis=-1)             # [B]
    output_reports = jnp.take(all_reports, closest, axis=0)   # [B, DB_REPORT_LEN]
    # match target report length (reports is not None, free=False path)
    n_words_target = reports.shape[1]
    n_words_current = output_reports.shape[1]
    if n_words_current > n_words_target:
        output_reports = output_reports[:, :n_words_target]
    elif n_words_current < n_words_target:
        missing = n_words_target - n_words_current
        output_reports = jnp.pad(output_reports, ((0, 0), (0, missing)))
    oh = jax.nn.one_hot(output_reports, VOCAB_SIZE, dtype=jnp.float32)
    return (oh, distances)

if __name__ == "__main__":
    import jax
    _d = setup_inputs()
    print(jax.jit(kernel)(*tuple(_d.values())))

</pallas_src>

<mosaic_0001>
#map = affine_map<(d0, d1) -> (0)>
#map1 = affine_map<(d0, d1) -> (0, 0)>
module attributes {stable_mosaic.version = 14 : i64} {
  func.func @_sc_gather(%arg0: i32, %arg1: i32, %arg2: memref<64xi32, #tpu.memory_space<hbm>>, %arg3: memref<100000x100xi32, #tpu.memory_space<hbm>>, %arg4: memref<64x100xi32, #tpu.memory_space<hbm>>, %arg5: memref<64xi32, #tpu.memory_space<vmem>>, %arg6: memref<64x100xi32, #tpu.memory_space<vmem>>, %arg7: memref<!tpu.dma_semaphore, #tpu.memory_space<semaphore_mem>>) attributes {dimension_semantics = [#tpu.dimension_semantics<core_parallel>, #tpu.dimension_semantics<subcore_parallel>], iteration_bounds = array<i64: 2, 16>, scalar_prefetch = 0 : i64, scratch_operands = 3 : i64, tpu.core_type = #tpu.core_type<sc_vector_subcore>, window_params = [{transform_indices = #map}, {transform_indices = #map1}, {transform_indices = #map1}]} {
    %eq3A = arith.constant 0 : i32
    %eq3A_0 = arith.cmpi eq, %arg0, %eq3A : i32
    %eq3A_1 = arith.constant 0 : i32
    %eq3A_2 = arith.cmpi eq, %arg1, %eq3A_1 : i32
    %and3A = arith.andi %eq3A_0, %eq3A_2 : i1
    %convert_element_type3A = arith.extui %and3A : i1 to i32
    %cond3A = arith.constant 0 : i32
    %cond3A_3 = arith.cmpi ne, %convert_element_type3A, %cond3A : i32
    scf.if %cond3A_3 {
      "tpu.region"() ({
        %run_scoped3A = tpu.sem_alloc : memref<!tpu.dma_semaphore, #tpu.memory_space<semaphore_mem>>
        tpu.enqueue_dma source(%arg2 : memref<64xi32, #tpu.memory_space<hbm>>) target(%arg5 : memref<64xi32, #tpu.memory_space<vmem>>) target_semaphore(%run_scoped3A : memref<!tpu.dma_semaphore, #tpu.memory_space<semaphore_mem>>)
        tpu.wait_dma2 semaphore(%run_scoped3A : memref<!tpu.dma_semaphore, #tpu.memory_space<semaphore_mem>>) src(%arg2 : memref<64xi32, #tpu.memory_space<hbm>>) dst(%arg5 : memref<64xi32, #tpu.memory_space<vmem>>)
        tpu.yield
      }) : () -> ()
      %scan3A = arith.constant 0 : i32
      %scan3A_4 = arith.constant 0 : i32
      %scan3A_5 = arith.constant 64 : i32
      %scan3A_6 = arith.addi %scan3A_4, %scan3A_5 : i32
      %scan3A_7 = arith.constant 1 : i32
      scf.for %scan3A_14 = %scan3A_4 to %scan3A_6 step %scan3A_7  : i32 {
        %shift_right_arithmetic3A = arith.constant 4 : i32
        %shift_right_arithmetic3A_15 = arith.shrsi %scan3A_14, %shift_right_arithmetic3A : i32
        %shift_left3A = arith.constant 4 : i32
        %shift_left3A_16 = arith.shli %shift_right_arithmetic3A_15, %shift_left3A : i32
        %get3A = arith.index_cast %shift_left3A_16 : i32 to index
        %get3A_17 = tpu.vector_load %arg5[%get3A] {strides = array<i32>} : memref<64xi32, #tpu.memory_space<vmem>>, vector<16xi32>,
        %iota3A = tpu.iota {dimensions = array<i32: 0>} : vector<16xi32>
        %and3A_18 = arith.constant 15 : i32
        %and3A_19 = arith.andi %scan3A_14, %and3A_18 : i32
        %eq3A_20 = vector.broadcast %and3A_19 : i32 to vector<16xi32>
        %eq3A_21 = arith.cmpi eq, %iota3A, %eq3A_20 : vector<16xi32>
        %jit3A = arith.constant 0 : i32
        %broadcast_in_dim3A = vector.broadcast %jit3A : i32 to vector<16xi32>
        %select_n3A = arith.select %eq3A_21, %get3A_17, %broadcast_in_dim3A : vector<16xi1>, vector<16xi32>
        %reduce_sum3A = arith.constant true
        %reduce_sum3A_22 = vector.broadcast %reduce_sum3A : i1 to vector<16xi1>
        %reduce_sum3A_23 = tpu.scan <sum>, %select_n3A masked %reduce_sum3A_22 : vector<16xi32>, vector<16xi1> -> vector<16xi32>
        %reduce_sum3A_24 = vector.extract %reduce_sum3A_23[15] : i32 from vector<16xi32>
        %dma_start3A = arith.constant 0 : i32
        %dma_start3A_25 = tpu.memref_slice %arg6[%scan3A_14, %dma_start3A] : memref<64x100xi32, #tpu.memory_space<vmem>> -> memref<1x100xi32, #tpu.memory_space<vmem>>
        %dma_start3A_26 = tpu.memref_squeeze %dma_start3A_25 : memref<1x100xi32, #tpu.memory_space<vmem>> -> memref<100xi32, #tpu.memory_space<vmem>>
        %dma_start3A_27 = arith.constant 0 : i32
        %dma_start3A_28 = tpu.memref_slice %arg3[%reduce_sum3A_24, %dma_start3A_27] : memref<100000x100xi32, #tpu.memory_space<hbm>> -> memref<1x100xi32, #tpu.memory_space<hbm>>
        %dma_start3A_29 = tpu.memref_squeeze %dma_start3A_28 : memref<1x100xi32, #tpu.memory_space<hbm>> -> memref<100xi32, #tpu.memory_space<hbm>>
        %dma_start3A_30 = arith.constant 0 : i32
        %dma_start3A_31 = tpu.memref_slice %arg6[%scan3A_14, %dma_start3A_30] : memref<64x100xi32, #tpu.memory_space<vmem>> -> memref<1x100xi32, #tpu.memory_space<vmem>>
        %dma_start3A_32 = tpu.memref_squeeze %dma_start3A_31 : memref<1x100xi32, #tpu.memory_space<vmem>> -> memref<100xi32, #tpu.memory_space<vmem>>
        %dma_start3A_33 = arith.constant 0 : i32
        %dma_start3A_34 = tpu.memref_slice %arg3[%reduce_sum3A_24, %dma_start3A_33] : memref<100000x100xi32, #tpu.memory_space<hbm>> -> memref<1x100xi32, #tpu.memory_space<hbm>>
        %dma_start3A_35 = tpu.memref_squeeze %dma_start3A_34 : memref<1x100xi32, #tpu.memory_space<hbm>> -> memref<100xi32, #tpu.memory_space<hbm>>
        tpu.enqueue_dma source(%dma_start3A_35 : memref<100xi32, #tpu.memory_space<hbm>>) target(%dma_start3A_32 : memref<100xi32, #tpu.memory_space<vmem>>) target_semaphore(%arg7 : memref<!tpu.dma_semaphore, #tpu.memory_space<semaphore_mem>>)
      }
      %scan3A_8 = arith.constant 64 : i32
      %dma_wait3A = arith.constant 0 : i32
      %dma_wait3A_9 = arith.constant 0 : i32
      %dma_wait3A_10 = tpu.memref_slice %arg3[%dma_wait3A, %dma_wait3A_9] : memref<100000x100xi32, #tpu.memory_space<hbm>> -> memref<64x100xi32, #tpu.memory_space<hbm>>
      %dma_wait3A_11 = arith.constant 0 : i32
      %dma_wait3A_12 = arith.constant 0 : i32
      %dma_wait3A_13 = tpu.memref_slice %arg3[%dma_wait3A_11, %dma_wait3A_12] : memref<100000x100xi32, #tpu.memory_space<hbm>> -> memref<64x100xi32, #tpu.memory_space<hbm>>
      tpu.wait_dma2 semaphore(%arg7 : memref<!tpu.dma_semaphore, #tpu.memory_space<semaphore_mem>>) src(%dma_wait3A_13 : memref<64x100xi32, #tpu.memory_space<hbm>>) dst(%arg6 : memref<64x100xi32, #tpu.memory_space<vmem>>)
      "tpu.region"() ({
        %run_scoped3A = tpu.sem_alloc : memref<!tpu.dma_semaphore, #tpu.memory_space<semaphore_mem>>
        tpu.enqueue_dma source(%arg6 : memref<64x100xi32, #tpu.memory_space<vmem>>) target(%arg4 : memref<64x100xi32, #tpu.memory_space<hbm>>) target_semaphore(%run_scoped3A : memref<!tpu.dma_semaphore, #tpu.memory_space<semaphore_mem>>)
        tpu.wait_dma2 semaphore(%run_scoped3A : memref<!tpu.dma_semaphore, #tpu.memory_space<semaphore_mem>>) src(%arg6 : memref<64x100xi32, #tpu.memory_space<vmem>>) dst(%arg4 : memref<64x100xi32, #tpu.memory_space<hbm>>)
        tpu.yield
      }) : () -> ()
    } else {
    }
    return
  }
}

module attributes {stable_mosaic.version = 14 : i64} {
  func.func @_main_body(%arg0: i32, %arg1: memref<3136x512xf32, #tpu.memory_space<vmem>>, %arg2: memref<512x512xf32, #tpu.memory_space<vmem>>, %arg3: memref<2048x512xf32, #tpu.memory_space<vmem>>, %arg4: memref<64x2048xf32, #tpu.memory_space<vmem>>, %arg5: memref<64x1xi32, #tpu.memory_space<vmem>>, %arg6: memref<64x512xf32, #tpu.memory_space<vmem>>, %arg7: memref<64x1xf32, #tpu.memory_space<vmem>>, %arg8: memref<64x1xi32, #tpu.memory_space<vmem>>) attributes {dimension_semantics = [#tpu.dimension_semantics<arbitrary>], iteration_bounds = array<i64: 49>, scalar_prefetch = 0 : i64, scratch_operands = 3 : i64, tpu.core_type = #tpu.core_type<tc>, window_params = [{pipeline_mode = #tpu.pipeline_mode<synchronous>, transform_indices = @transform_0, window_bounds = array<i64: 3136, 512>}, {pipeline_mode = #tpu.pipeline_mode<synchronous>, transform_indices = @transform_1, window_bounds = array<i64: 512, 512>}, {transform_indices = @transform_2, window_bounds = array<i64: 2048, 512>}, {transform_indices = @transform_3, window_bounds = array<i64: 64, 2048>}, {pipeline_mode = #tpu.pipeline_mode<synchronous>, transform_indices = @transform_4, window_bounds = array<i64: 64, 1>}]} {
    %eq3A = arith.constant 0 : i32
    %eq3A_0 = arith.cmpi eq, %arg0, %eq3A : i32
    %convert_element_type3A = arith.extui %eq3A_0 : i1 to i32
    %cond3A = arith.constant 0 : i32
    %cond3A_1 = arith.cmpi ne, %convert_element_type3A, %cond3A : i32
    scf.if %cond3A_1 {
      %get3A_63 = arith.constant 0 : index
      %get3A_64 = arith.constant 0 : index
      %get3A_65 = vector.load %arg1[%get3A_63, %get3A_64] : memref<3136x512xf32, #tpu.memory_space<vmem>>, vector<3136x512xf32>
      %get3A_66 = arith.constant 0 : index
      %get3A_67 = arith.constant 0 : index
      %get3A_68 = vector.load %arg2[%get3A_66, %get3A_67] : memref<512x512xf32, #tpu.memory_space<vmem>>, vector<512x512xf32>
      %dot_general3A_69 = arith.constant dense<0.000000e+00> : vector<3136x512xf32>
      %dot_general3A_70 = tpu.matmul %get3A_65, %get3A_68, %dot_general3A_69 {dimension_numbers = #tpu.dot_dimension_numbers<[1], [0], [0], [1], [0, 0, 1, 1], [], []>, precision = #tpu.contract_precision<fp32>, transpose_lhs_hint = false} : vector<3136x512xf32>, vector<512x512xf32>, vector<3136x512xf32> -> vector<3136x512xf32>
      %reshape3A = vector.shape_cast %dot_general3A_70 : vector<3136x512xf32> to vector<64x49x512xf32>
      %reduce_max3A = arith.constant dense<0xFF800000> : vector<64x512xf32>
      %reduce_max3A_71 = vector.multi_reduction <maximumf>, %reshape3A, %reduce_max3A [1] : vector<64x49x512xf32> to vector<64x512xf32>
      %swap3A_72 = arith.constant 0 : index
      %swap3A_73 = arith.constant 0 : index
      %swap3A_74 = vector.load %arg6[%swap3A_72, %swap3A_73] : memref<64x512xf32, #tpu.memory_space<vmem>>, vector<64x512xf32>
      tpu.vector_store %arg6[%swap3A_72, %swap3A_73], %reduce_max3A_71 {strides = array<i32>} : memref<64x512xf32, #tpu.memory_space<vmem>>, vector<64x512xf32>,
      %broadcast_in_dim3A_75 = arith.constant 0x7F800000 : f32
      %broadcast_in_dim3A_76 = vector.broadcast %broadcast_in_dim3A_75 : f32 to vector<64x1xf32>
      %swap3A_77 = arith.constant 0 : index
      %swap3A_78 = arith.constant 0 : index
      %swap3A_79 = vector.load %arg7[%swap3A_77, %swap3A_78] : memref<64x1xf32, #tpu.memory_space<vmem>>, vector<64x1xf32>
      tpu.vector_store %arg7[%swap3A_77, %swap3A_78], %broadcast_in_dim3A_76 {strides = array<i32>} : memref<64x1xf32, #tpu.memory_space<vmem>>, vector<64x1xf32>,
      %broadcast_in_dim3A_80 = arith.constant 0 : i32
      %broadcast_in_dim3A_81 = vector.broadcast %broadcast_in_dim3A_80 : i32 to vector<64x1xi32>
      %swap3A_82 = arith.constant 0 : index
      %swap3A_83 = arith.constant 0 : index
      %swap3A_84 = vector.load %arg8[%swap3A_82, %swap3A_83] : memref<64x1xi32, #tpu.memory_space<vmem>>, vector<64x1xi32>
      tpu.vector_store %arg8[%swap3A_82, %swap3A_83], %broadcast_in_dim3A_81 {strides = array<i32>} : memref<64x1xi32, #tpu.memory_space<vmem>>, vector<64x1xi32>,
    } else {
    }
    %get3A = arith.constant 0 : index
    %get3A_2 = arith.constant 0 : index
    %get3A_3 = vector.load %arg6[%get3A, %get3A_2] : memref<64x512xf32, #tpu.memory_space<vmem>>, vector<64x512xf32>
    %get3A_4 = arith.constant 0 : index
    %get3A_5 = arith.constant 0 : index
    %get3A_6 = vector.load %arg3[%get3A_4, %get3A_5] : memref<2048x512xf32, #tpu.memory_space<vmem>>, vector<2048x512xf32>
    %dot_general3A = arith.constant dense<0.000000e+00> : vector<64x2048xf32>
    %dot_general3A_7 = tpu.matmul %get3A_3, %get3A_6, %dot_general3A {dimension_numbers = #tpu.dot_dimension_numbers<[1], [1], [0], [0], [0, 0, 1, 0], [], []>, precision = #tpu.contract_precision<fp32>, transpose_lhs_hint = false} : vector<64x512xf32>, vector<2048x512xf32>, vector<64x2048xf32> -> vector<64x2048xf32>
    %broadcast_in_dim3A = arith.constant 1.000000e+00 : f32
    %broadcast_in_dim3A_8 = vector.broadcast %broadcast_in_dim3A : f32 to vector<1x512xf32>
    %mul3A = arith.mulf %get3A_6, %get3A_6 : vector<2048x512xf32>
    %dot_general3A_9 = arith.constant dense<0.000000e+00> : vector<1x2048xf32>
    %dot_general3A_10 = tpu.matmul %broadcast_in_dim3A_8, %mul3A, %dot_general3A_9 {dimension_numbers = #tpu.dot_dimension_numbers<[1], [1], [0], [0], [0, 0, 1, 0], [], []>, precision = #tpu.contract_precision<fp32>, transpose_lhs_hint = false} : vector<1x512xf32>, vector<2048x512xf32>, vector<1x2048xf32> -> vector<1x2048xf32>
    %mul3A_11 = arith.mulf %get3A_3, %get3A_3 : vector<64x512xf32>
    %reduce_sum3A = arith.constant dense<0.000000e+00> : vector<64xf32>
    %reduce_sum3A_12 = vector.multi_reduction <add>, %mul3A_11, %reduce_sum3A [1] : vector<64x512xf32> to vector<64xf32>
    %broadcast_in_dim3A_13 = vector.shape_cast %reduce_sum3A_12 : vector<64xf32> to vector<64x1xf32>
    %add3A = vector.broadcast %broadcast_in_dim3A_13 : vector<64x1xf32> to vector<64x2048xf32>
    %add3A_14 = vector.broadcast %dot_general3A_10 : vector<1x2048xf32> to vector<64x2048xf32>
    %add3A_15 = arith.addf %add3A, %add3A_14 : vector<64x2048xf32>
    %mul3A_16 = arith.constant 2.000000e+00 : f32
    %mul3A_17 = vector.broadcast %mul3A_16 : f32 to vector<64x2048xf32>
    %mul3A_18 = arith.mulf %mul3A_17, %dot_general3A_7 : vector<64x2048xf32>
    %sub3A = arith.subf %add3A_15, %mul3A_18 : vector<64x2048xf32>
    %mul3A_19 = arith.constant 2048 : i32
    %mul3A_20 = arith.muli %arg0, %mul3A_19 : i32
    %iota3A = tpu.iota {dimensions = array<i32: 1>} : vector<64x2048xi32>
    %add3A_21 = vector.broadcast %mul3A_20 : i32 to vector<64x2048xi32>
    %add3A_22 = arith.addi %add3A_21, %iota3A : vector<64x2048xi32>
    %lt3A = arith.constant 100000 : i32
    %lt3A_23 = vector.broadcast %lt3A : i32 to vector<64x2048xi32>
    %lt3A_24 = arith.cmpi slt, %add3A_22, %lt3A_23 : vector<64x2048xi32>
    %jit3A = arith.constant 0x7F800000 : f32
    %broadcast_in_dim3A_25 = vector.broadcast %jit3A : f32 to vector<64x2048xf32>
    %select_n3A = arith.select %lt3A_24, %sub3A, %broadcast_in_dim3A_25 : vector<64x2048xi1>, vector<64x2048xf32>
    %max3A = arith.constant 0.000000e+00 : f32
    %max3A_26 = vector.broadcast %max3A : f32 to vector<64x2048xf32>
    %max3A_27 = arith.maximumf %select_n3A, %max3A_26 : vector<64x2048xf32>
    %sqrt3A = math.sqrt %max3A_27 : vector<64x2048xf32>
    %swap3A = arith.constant 0 : index
    %swap3A_28 = arith.constant 0 : index
    %swap3A_29 = vector.load %arg4[%swap3A, %swap3A_28] : memref<64x2048xf32, #tpu.memory_space<vmem>>, vector<64x2048xf32>
    tpu.vector_store %arg4[%swap3A, %swap3A_28], %sqrt3A {strides = array<i32>} : memref<64x2048xf32, #tpu.memory_space<vmem>>, vector<64x2048xf32>,
    %reduce_min3A = arith.constant dense<0x7F800000> : vector<64xf32>
    %reduce_min3A_30 = vector.multi_reduction <minimumf>, %select_n3A, %reduce_min3A [1] : vector<64x2048xf32> to vector<64xf32>
    %broadcast_in_dim3A_31 = vector.shape_cast %reduce_min3A_30 : vector<64xf32> to vector<64x1xf32>
    %eq3A_32 = vector.broadcast %broadcast_in_dim3A_31 : vector<64x1xf32> to vector<64x2048xf32>
    %eq3A_33 = arith.cmpf oeq, %select_n3A, %eq3A_32 : vector<64x2048xf32>
    %jit3A_34 = arith.constant 100000 : i32
    %broadcast_in_dim3A_35 = vector.broadcast %jit3A_34 : i32 to vector<64x2048xi32>
    %select_n3A_36 = arith.select %eq3A_33, %add3A_22, %broadcast_in_dim3A_35 : vector<64x2048xi1>, vector<64x2048xi32>
    %reduce_min3A_37 = arith.constant dense<2147483647> : vector<64xi32>
    %reduce_min3A_38 = vector.multi_reduction <minsi>, %select_n3A_36, %reduce_min3A_37 [1] : vector<64x2048xi32> to vector<64xi32>
    %broadcast_in_dim3A_39 = vector.shape_cast %reduce_min3A_38 : vector<64xi32> to vector<64x1xi32>
    %get3A_40 = arith.constant 0 : index
    %get3A_41 = arith.constant 0 : index
    %get3A_42 = vector.load %arg7[%get3A_40, %get3A_41] : memref<64x1xf32, #tpu.memory_space<vmem>>, vector<64x1xf32>
    %lt3A_43 = arith.cmpf olt, %broadcast_in_dim3A_31, %get3A_42 : vector<64x1xf32>
    %get3A_44 = arith.constant 0 : index
    %get3A_45 = arith.constant 0 : index
    %get3A_46 = vector.load %arg8[%get3A_44, %get3A_45] : memref<64x1xi32, #tpu.memory_space<vmem>>, vector<64x1xi32>
    %select_n3A_47 = arith.select %lt3A_43, %broadcast_in_dim3A_39, %get3A_46 : vector<64x1xi1>, vector<64x1xi32>
    %swap3A_48 = arith.constant 0 : index
    %swap3A_49 = arith.constant 0 : index
    %swap3A_50 = vector.load %arg8[%swap3A_48, %swap3A_49] : memref<64x1xi32, #tpu.memory_space<vmem>>, vector<64x1xi32>
    tpu.vector_store %arg8[%swap3A_48, %swap3A_49], %select_n3A_47 {strides = array<i32>} : memref<64x1xi32, #tpu.memory_space<vmem>>, vector<64x1xi32>,
    %get3A_51 = arith.constant 0 : index
    %get3A_52 = arith.constant 0 : index
    %get3A_53 = vector.load %arg7[%get3A_51, %get3A_52] : memref<64x1xf32, #tpu.memory_space<vmem>>, vector<64x1xf32>
    %select_n3A_54 = arith.select %lt3A_43, %broadcast_in_dim3A_31, %get3A_53 : vector<64x1xi1>, vector<64x1xf32>
    %swap3A_55 = arith.constant 0 : index
    %swap3A_56 = arith.constant 0 : index
    %swap3A_57 = vector.load %arg7[%swap3A_55, %swap3A_56] : memref<64x1xf32, #tpu.memory_space<vmem>>, vector<64x1xf32>
    tpu.vector_store %arg7[%swap3A_55, %swap3A_56], %select_n3A_54 {strides = array<i32>} : memref<64x1xf32, #tpu.memory_space<vmem>>, vector<64x1xf32>,
    %eq3A_58 = arith.constant 48 : i32
    %eq3A_59 = arith.cmpi eq, %arg0, %eq3A_58 : i32
    %convert_element_type3A_60 = arith.extui %eq3A_59 : i1 to i32
    %cond3A_61 = arith.constant 0 : i32
    %cond3A_62 = arith.cmpi ne, %convert_element_type3A_60, %cond3A_61 : i32
    scf.if %cond3A_62 {
      %get3A_63 = arith.constant 0 : index
      %get3A_64 = arith.constant 0 : index
      %get3A_65 = vector.load %arg8[%get3A_63, %get3A_64] : memref<64x1xi32, #tpu.memory_space<vmem>>, vector<64x1xi32>
      %swap3A_66 = arith.constant 0 : index
      %swap3A_67 = arith.constant 0 : index
      %swap3A_68 = vector.load %arg5[%swap3A_66, %swap3A_67] : memref<64x1xi32, #tpu.memory_space<vmem>>, vector<64x1xi32>
      tpu.vector_store %arg5[%swap3A_66, %swap3A_67], %get3A_65 {strides = array<i32>} : memref<64x1xi32, #tpu.memory_space<vmem>>, vector<64x1xi32>,
    } else {
    }
    return
  }
  func.func @transform_0(%arg0: i32) -> (i32, i32) {
    %c0_i32 = arith.constant 0 : i32
    %c0_i32_0 = arith.constant 0 : i32
    %c0_i32_1 = arith.constant 0 : i32
    return %c0_i32, %c0_i32_0 : i32, i32
  }
  func.func @transform_1(%arg0: i32) -> (i32, i32) {
    %c0_i32 = arith.constant 0 : i32
    %c0_i32_0 = arith.constant 0 : i32
    %c0_i32_1 = arith.constant 0 : i32
    return %c0_i32, %c0_i32_0 : i32, i32
  }
  func.func @transform_2(%arg0: i32) -> (i32, i32) {
    %c0_i32 = arith.constant 0 : i32
    %c0_i32_0 = arith.constant 0 : i32
    return %arg0, %c0_i32 : i32, i32
  }
  func.func @transform_3(%arg0: i32) -> (i32, i32) {
    %c0_i32 = arith.constant 0 : i32
    %c0_i32_0 = arith.constant 0 : i32
    return %c0_i32, %arg0 : i32, i32
  }
  func.func @transform_4(%arg0: i32) -> (i32, i32) {
    %c0_i32 = arith.constant 0 : i32
    %c0_i32_0 = arith.constant 0 : i32
    %c0_i32_1 = arith.constant 0 : i32
    return %c0_i32, %c0_i32_0 : i32, i32
  }
}

module attributes {stable_mosaic.version = 14 : i64} {
  func.func @_oh_body(%arg0: i32, %arg1: memref<8x80xi32, #tpu.memory_space<vmem>>, %arg2: memref<8x80x1000xf32, #tpu.memory_space<vmem>>) attributes {dimension_semantics = [#tpu.dimension_semantics<arbitrary>], iteration_bounds = array<i64: 8>, scalar_prefetch = 0 : i64, scratch_operands = 0 : i64, tpu.core_type = #tpu.core_type<tc>, window_params = [{transform_indices = @transform_0, window_bounds = array<i64: 8, 80>}, {transform_indices = @transform_1, window_bounds = array<i64: 8, 80, 1000>}]} {
    %get3A = arith.constant 0 : index
    %get3A_0 = arith.constant 0 : index
    %get3A_1 = vector.load %arg1[%get3A, %get3A_0] : memref<8x80xi32, #tpu.memory_space<vmem>>, vector<8x80xi32>
    %iota3A = tpu.iota {dimensions = array<i32: 2>} : vector<8x80x1000xi32>
    %broadcast_in_dim3A = vector.shape_cast %get3A_1 : vector<8x80xi32> to vector<8x80x1xi32>
    %eq3A = vector.broadcast %broadcast_in_dim3A : vector<8x80x1xi32> to vector<8x80x1000xi32>
    %eq3A_2 = arith.cmpi eq, %eq3A, %iota3A : vector<8x80x1000xi32>
    %convert_element_type3A = arith.extui %eq3A_2 : vector<8x80x1000xi1> to vector<8x80x1000xi32>
    %convert_element_type3A_3 = arith.sitofp %convert_element_type3A : vector<8x80x1000xi32> to vector<8x80x1000xf32>
    %swap3A = arith.constant 0 : index
    %swap3A_4 = arith.constant 0 : index
    %swap3A_5 = arith.constant 0 : index
    %swap3A_6 = vector.load %arg2[%swap3A, %swap3A_4, %swap3A_5] : memref<8x80x1000xf32, #tpu.memory_space<vmem>>, vector<8x80x1000xf32>
    tpu.vector_store %arg2[%swap3A, %swap3A_4, %swap3A_5], %convert_element_type3A_3 {strides = array<i32>} : memref<8x80x1000xf32, #tpu.memory_space<vmem>>, vector<8x80x1000xf32>,
    return
  }
  func.func @transform_0(%arg0: i32) -> (i32, i32) {
    %c0_i32 = arith.constant 0 : i32
    %c0_i32_0 = arith.constant 0 : i32
    return %arg0, %c0_i32 : i32, i32
  }
  func.func @transform_1(%arg0: i32) -> (i32, i32, i32) {
    %c0_i32 = arith.constant 0 : i32
    %c0_i32_0 = arith.constant 0 : i32
    %c0_i32_1 = arith.constant 0 : i32
    return %arg0, %c0_i32, %c0_i32_0 : i32, i32, i32
  }
}

</mosaic_0001>

<sc_bundles>
// kernel: kernel.5.cloned.1.call-start
scs
__scs_entry_jumppad:
0x0: {  	(pc) =	sbr.rel $0x88, $3  }
0x1: {  	(tag) =	ssettag $0x0;
	lr =	simm.s32 $0x1  }
0x2: {  	[smem:$0x3F9D] =	sst lr;
	_ =	strace $0xD0000000  }
0x3: {  	_ = 	snop  }
0x4: {  	_ = 	snop  }
0x5: {  	_ = 	snop  }
0x6: {  	_ = 	snop  }
0x7: {  	_ = 	snop  }
__scs_overlays_trampoline_lowered:
0x8: {  	[smem:$0x3FAC] =	sst s0  }
0x9: {  	[smem:$0x3FAD] =	sst s1  }
0xa: {  	[smem:$0x3FAE] =	sst s2  }
0xb: {  	[smem:$0x3FAF] =	sst s3  }
0xc: {  	[smem:$0x3FB0] =	sst s4  }
0xd: {  	[smem:$0x3FB1] =	sst s5  }
0xe: {  	[smem:$0x3FB2] =	sst s6  }
0xf: {  	[smem:$0x3FB3] =	sst s7  }
0x10: {  	[smem:$0x3FB4] =	sst s8  }
0x11: {  	[smem:$0x3FB5] =	sst s9;
	s0 =	simm.s32 @!p0 $0x0  }
0x12: {  	s1 =	sld [smem:$0x3F9B];
	s0 =	simm.s32 @p0 $0x1  }
0x13: {  	[smem:$0x3FB6] =	sst s0;
	s0 =	simm.s32 @!p1 $0x0  }
0x14: {  	s2 =	sld [smem:$0x3F9A];
	s0 =	simm.s32 @p1 $0x1  }
0x15: {  	[smem:$0x3FB7] =	sst s0;
	s0 =	simm.s32 @!p2 $0x0  }
0x16: {  	s3 =	sld [smem:$0x3FDB];
	s0 =	simm.s32 @p2 $0x1  }
0x17: {  	s4 =	simm.s32 $0x1BF5;
	[smem:$0x3FB9] =	sst s0  }
0x18: {  	s0 =	sld [smem:$0x3F9C];
	_ =	swait.ge [sflag:s4], $0x0  }
0x19: {  	s7 =	sld [smem:$0x3F9D]  }
0x1a: {  	s8 =	sadd.s32 $0xFFFFE003, lr  }
0x1b: {  	s9 =	sadd.s32 $0xFFFFFEF7, lr;
	s5 =	simm.s32 $0xFFFFFFFF;
	p2 =	slt.u32 s8, $0xFFFFF086  }
0x1c: {  	p1 =	slt.u32 s9, $0xF7A;
	s5 =	simm.s32 @!p2 $0x0  }
0x1d: {  	s5 =	simm.s32 @p1 $0x1;
	p0 =	seq.s32 s7, s2  }
0x1e: {  	s7 =	smul.u32 @!p0 $0xF7A, s2;
	p2 =	seq.s32 @!p0 s5, $0x0  }
0x1f: {  	s9 =	smul.u32 $0xF7A, s1;
	s8 =	simm.s32 @!p0 $0x1BF5;
	p2 =	por !p2, p0  }
0x20: {  	[sflag:s8] =	ssyncset.s32 @!p0 $0xFFFFF086;
	s6 =	sadd.s32 @!p0 s3, s7;
	s7 =	simm.s32 @!p0 $0x108  }
0x21: {  	s3 =	sadd.s32 s3, s9;
	s6 =	sadd.s32 @!p0 $0x88, s6;
	s7 =	simm.s32 @p2 $0x1082  }
0x22: {  	[simem:s7], [sflag:s8] =	dma.local @!p0 [hbm:s6], $0xF7A  }
0x23: {  	s9 =	sor.u32 $0xD0000000, s2;
	s6 =	simm.s32 $0x108;
	_ =	swait.ge @!p0 [sflag:s8], $0x0  }
0x24: {  	s3 =	sadd.s32 $0x88, s3;
	s6 =	simm.s32 @!p1 $0x1082;
	[sflag:s4] =	ssyncset.s32 $0xFFFFF086  }
0x25: {  	[simem:s6], [sflag:s4] =	dma.local [hbm:s3], $0xF7A  }
0x26: {  	[smem:$0x3F9D] =	sst s1;
	(tag) =	ssettag s2;
	_ =	strace s9  }
0x27: {  	s1 =	sld [smem:$0x3FAD]  }
0x28: {  	s2 =	sld [smem:$0x3FAE]  }
0x29: {  	s4 =	sld [smem:$0x3FB0]  }
0x2a: {  	p0 =	seq.s32 s5, $0x0;
	s5 =	sld [smem:$0x3FB1]  }
0x2b: {  	s6 =	sld [smem:$0x3FB2]  }
0x2c: {  	s7 =	sld [smem:$0x3FB3]  }
0x2d: {  	s3 =	simm.s32 $0x108;
	s8 =	sld [smem:$0x3FB4]  }
0x2e: {  	s3 =	simm.s32 @!p0 $0x1082;
	s9 =	sld [smem:$0x3FB5]  }
0x2f: {  	lr =	sadd.s32 s0, s3;
	s0 =	sld [smem:$0x3FAC]  }
0x30: {  	s3 =	sld [smem:$0x3FAF]  }
0x31: {  	[smem:$0x3FB8] =	sst s10  }
0x32: {  	s10 =	sld [smem:$0x3FB6];
	_ =	sdelay $0x3  }
0x33: {  	p0 =	seq.s32 s10, $0x1;
	s10 =	sld [smem:$0x3FB8];
	_ =	sdelay $0x3  }
0x34: {  	[smem:$0x3FB8] =	sst s10  }
0x35: {  	s10 =	sld [smem:$0x3FB7];
	_ =	sdelay $0x3  }
0x36: {  	p1 =	seq.s32 s10, $0x1;
	s10 =	sld [smem:$0x3FB8];
	_ =	sdelay $0x3  }
0x37: {  	[smem:$0x3FB8] =	sst s10  }
0x38: {  	s10 =	sld [smem:$0x3FB9]  }
0x39: {  	_ = 	snop;
	(pc) =	sbr.ind lr, $3  }
0x3a: {  	_ = 	snop  }
0x3b: {  	_ = 	snop  }
0x3c: {  	p2 =	seq.s32 s10, $0x1;
	s10 =	sld [smem:$0x3FB8]  }
0x3d: {  	_ =	shalt  }
0x3e: {  	_ =	shalt  }
0x3f: {  	_ =	shalt  }
0x40: {  	_ =	shalt  }
0x41: {  	_ =	shalt  }
0x42: {  	_ =	shalt  }
0x43: {  	_ =	shalt  }
0x44: {  	_ =	shalt  }
0x45: {  	_ =	shalt  }
0x46: {  	_ =	shalt  }
0x47: {  	_ =	shalt  }
0x48: {  	_ =	shalt  }
0x49: {  	_ =	shalt  }
0x4a: {  	_ =	shalt  }
0x4b: {  	_ =	shalt  }
0x4c: {  	_ =	shalt  }
0x4d: {  	_ =	shalt  }
0x4e: {  	_ =	shalt  }
0x4f: {  	_ =	shalt  }
0x50: {  	_ =	shalt  }
0x51: {  	_ =	shalt  }
0x52: {  	_ =	shalt  }
0x53: {  	_ =	shalt  }
0x54: {  	_ =	shalt  }
0x55: {  	_ =	shalt  }
0x56: {  	_ =	shalt  }
0x57: {  	_ =	shalt  }
0x58: {  	_ =	shalt  }
0x59: {  	_ =	shalt  }
0x5a: {  	_ =	shalt  }
0x5b: {  	_ =	shalt  }
0x5c: {  	_ =	shalt  }
0x5d: {  	_ =	shalt  }
0x5e: {  	_ =	shalt  }
0x5f: {  	_ =	shalt  }
0x60: {  	_ =	shalt  }
0x61: {  	_ =	shalt  }
0x62: {  	_ =	shalt  }
0x63: {  	_ =	shalt  }
0x64: {  	_ =	shalt  }
0x65: {  	_ =	shalt  }
0x66: {  	_ =	shalt  }
0x67: {  	_ =	shalt  }
0x68: {  	_ =	shalt  }
0x69: {  	_ =	shalt  }
0x6a: {  	_ =	shalt  }
0x6b: {  	_ =	shalt  }
0x6c: {  	_ =	shalt  }
0x6d: {  	_ =	shalt  }
0x6e: {  	_ =	shalt  }
0x6f: {  	_ =	shalt  }
0x70: {  	_ =	shalt  }
0x71: {  	_ =	shalt  }
0x72: {  	_ =	shalt  }
0x73: {  	_ =	shalt  }
0x74: {  	_ =	shalt  }
0x75: {  	_ =	shalt  }
0x76: {  	_ =	shalt  }
0x77: {  	_ =	shalt  }
0x78: {  	_ =	shalt  }
0x79: {  	_ =	shalt  }
0x7a: {  	_ =	shalt  }
0x7b: {  	_ =	shalt  }
0x7c: {  	_ =	shalt  }
0x7d: {  	_ =	shalt  }
0x7e: {  	_ =	shalt  }
0x7f: {  	_ =	shalt  }
0x80: {  	_ =	shalt  }
0x81: {  	_ =	shalt  }
0x82: {  	_ =	shalt  }
0x83: {  	_ =	shalt  }
0x84: {  	_ =	shalt  }
0x85: {  	_ =	shalt  }
0x86: {  	_ =	shalt  }
0x87: {  	_ =	shalt  }
.Lfunc_end0:
.L_simem_size_0:
called_computation_lowered:
.L_overlay_start_0:
0x88: {  	s2 =	sld [smem:$0x3FD9]  }
0x89: {  	s3 =	sld [smem:$0x3FFE];
	_ =	sdelay $0x1  }
0x8a: {  	s1 =	srdreg.scid  }
0x8b: {  	s0 =	sand.u32 $0x1, s1  }
0x8c: {  	s14 =	sshll.u32 s0, $0xA;
	s2 =	sadd.s32 s3, s2  }
0x8d: {  	s2 =	sadd.s32 s2, s14  }
0x8e: {  	[smem:$0x3FC4] =	sst s2  }
0x8f: {  	_ = 	snop  }
0x90: {  	s2 =	sld [smem:$0x3FD0];
	_ =	sdelay $0x2  }
0x91: {  	s15 =	simm.s32 $0xA;
	s4 =	simm.s32 $0x10  }
0x92: {  	[smem:s4], [sflag:s15] =	dma.local [hbm:s2], $0x1  }
0x93: {  	_ =	swait.eq [sflag:s15], $0x1  }
0x94: {  	[sflag:s15] =	ssyncset.done $0x0  }
0x95: {  	[sflag:s15] =	ssyncadd.s32 $0xFFFFFFFF  }
0x96: {  	s16 =	sld [smem:$0x10];
	(tm) =	ssettm $0x1  }
0x97: {  	s17 =	sld [smem:$0x3FFB];
	_ =	sdelay $0x3  }
0x98: {  	_ =	strace s17  }
0x99: {  	s3 =	sld [smem:$0x3FFC];
	_ =	sdelay $0x3  }
0x9a: {  	_ =	strace s3  }
0x9b: {  	s3 =	sld [smem:$0x3FFD];
	_ =	sdelay $0x3  }
0x9c: {  	_ =	strace s3  }
0x9d: {  	_ =	strace $0x8FFFFFFF  }
0x9e: {  	s18 =	sld [smem:$0x3FDB];
	_ =	sdelay $0x1  }
0x9f: {  	s19 =	simm.s32 $_scs_section_size  }
0xa0: {  	s5 =	simm.s32 $_size__tile_overlayer_lowered;
	s6 =	simm.s32 $_tile_overlayer_lowered  }
0xa1: {  	s22 =	simm.s32 $0x1BFF;
	s21 =	sshll.u32 s6, $0x1;
	s3 =	sadd.s32 s19, s18  }
0xa2: {  	s7 =	simm.s32 $0x0;
	s20 =	sshll.u32 s5, $0x1;
	s5 =	sadd.s32 s21, s3  }
0xa3: {  	[timem:s7], [sflag:s22] =	dma.local [hbm:s5], s20  }
0xa4: {  	_ =	swait.ge [sflag:s22], s20  }
0xa5: {  	s4 =	ssub.s32 $0x0, s20;
	[sflag:s22] =	ssyncset.done $0x0  }
0xa6: {  	[sflag:s22] =	ssyncadd.s32 s4;
	_ =	sdelay $0x1  }
0xa7: {  	s23 =	simm.s32 $0x1B8B  }
0xa8: {  	_ =	swait.ge [sflag:s23], $0x1  }
0xa9: {  	[sflag:s23] =	ssyncset.done $0x0  }
0xaa: {  	s25 =	simm.s32 $0x1B8E;
	s24 =	sld [smem:$0x3FFE];
	[sflag:s23] =	ssyncadd.s32 $0xFFFFFFFF  }
0xab: {  	s26 =	simm.s32 $execute0_lowered;
	[smem:$0x3FD2] =	sst s25  }
0xac: {  	s5 =	sshll.u32 s26, $0x1;
	_ =	strace $0x80000046;
	[dreg:$0x1] =	wrdreg $0xFFFFFFFF  }
0xad: {  	s28 =	simm.s32 $_size_execute0_lowered;
	s3 =	sadd.s32 s3, s5;
	[dreg:$0x0] =	wrdreg $0x0  }
0xae: {  	s5 =	sshll.u32 s28, $0x1;
	[dreg:$0x2] =	wrdreg s3  }
0xaf: {  	[dreg:$0x3] =	wrdreg s5  }
0xb0: {  	[dreg:$0x4] =	wrdreg $0xC0  }
0xb1: {  	_ =	task [dreg:s7], $0x5FFFF  }
0xb2: {  	[dreg:$0x1] =	wrdreg $0xFFFFFFFF  }
0xb3: {  	[dreg:$0x0] =	wrdreg $0x60  }
0xb4: {  	[dreg:$0x2] =	wrdreg s24  }
0xb5: {  	[dreg:$0x3] =	wrdreg s16  }
0xb6: {  	[dreg:$0x4] =	wrdreg $0x9  }
0xb7: {  	_ =	task.clear_ibuf [dreg:s7], $0x5FFFF;
	_ =	strace $0x90000046  }
0xb8: {  	s29 =	simm.s32 $0x9;
	_ =	strace $0x80000048  }
0xb9: {  	_ =	swait.ge [sflag:s29], $0x1  }
0xba: {  	[sflag:s29] =	ssyncadd.s32 $0xFFFFFFFF  }
0xbb: {  	_ =	strace $0x90000048  }
0xbc: {  	_ =	sfence  }
0xbd: {  	s30 =	sld [smem:$0x0];
	_ =	sdelay $0x2  }
0xbe: {  	s31 =	sshll.u32 s1, $0xD;
	s1 =	sshrl.u32 s1, $0x2  }
0xbf: {  	s3 =	sand.u32 $0x4000, s31;
	s1 =	sadd.s32 s1, s30  }
0xc0: {  	s0 =	sor.u32 s3, s0;
	s1 =	sshll.u32 s1, $0x11  }
0xc1: {  	s0 =	sor.u32 s1, s0  }
0xc2: {  	s0 =	sadd.s32 $0x8F2B, s0  }
0xc3: {  	[sflag:s0] =	ssyncadd.remote.s32 $0x1  }
0xc4: {  	_ =	sfence.sel $0xFFFF  }
0xc5: {  	[dreg:$0x0] =	wrdreg $0xFFFFFFFF;
	(pc) =	sbr.abs _section_cstart, $3  }
0xc6: {  	[dreg:$0x1] =	wrdreg $0xFFFFFFFF  }
0xc7: {  	_ =	task.clear_ibuf [dreg:s7], $0x2FFFF;
	_ =	strace $0x9FFFFFFF  }
0xc8: {  	(tm) =	ssettm $0x7FFFFFFF  }
0xc9: {  	_ =	shalt  }
tec
execute0_lowered:
.L_overlay_start_1:
0x0: {  	(tag) =	ssettag $0x1  }
0x1: {  	s0 =	srdreg.scid  }
0x2: {  	s1 =	stileid.u32;
	s4 =	sand.u32 $0x1, s0  }
0x3: {  	s6 =	sor.u32 s1, s4  }
0x4: {  	p0 =	sne.s32 s6, $0x0  }
.Ltmp0:
0x5: {  	_ = 	snop;
	(pc) =	sbr.rel @p0 .LBB2_5-.Ltmp0, $4  }
0x6: {  	s5 =	rddreg [dreg:$0x0]  }
0x7: {  	s2 =	rddreg [dreg:$0x1];
	s3 =	simm.s32 $0x0  }
0x8: {  	[smem:$0x7FF] =	sst s3  }
0x9: {  	s0 =	rddreg [dreg:$0x2];
	_ =	strace $0x80000047  }
0xa: {  	s6 =	ssub.s32 $0x2, s4;
	s4 =	sadd.s32 $0x187000, s5;
	s5 =	sadd.s32 $0x600, s5  }
0xb: {  	s8 =	simm.s32 $0x1;
	s9 =	simm.s32 $0x80;
	s7 =	sshrl.u32 s6, $0x1  }
0xc: {  	v0 =	vlaneseq.u32;
	s10 =	simm.s32 $0x0;
	s6 =	ssub.s32 s6, s7;
	s7 =	simm.s32 $0x2  }
.LBB2_2:
0xd: {  	s11 =	simm.s32 $0x0  }
0xe: {  	[tilespmem:s11], [sflag:$0x2] =	stream.linear.gather [hbm4b:s4+s11], $0x80, $0x38;
	[tilespmem:$0x2080] =	vst v63  }
0xf: {  	_ =	swait.ge [sflag:s7], $0x80  }
0x10: {  	[sflag:s7] =	ssyncset.done $0x0  }
0x11: {  	s12 =	sand.u32 $0x30, s11;
	[sflag:s7] =	ssyncadd.s32 $0xFFFFFF80  }
0x12: {  	v1 =	vld [tilespmem:s12+$0x0];
	_ =	sdelay $0x1  }
0x13: {  	s11 =	sand.u32 $0xF, s11  }
0x14: {  	v2 =	vmov s11  }
0x15: {  	vm0 =	veq.s32 v2, v0  }
0x16: {  	v1 =	vnsel vm0, $0x0, v1  }
0x17: {  	(xrf0) =	vadd.scan.msk.s32 $0xffff, v1;
	_ =	sdelay $0x5  }
0x18: {  	v1, _, _ =	vpop (xrf0)  }
0x19: {  	(v2sf) =	vpush v1, $0xF;
	_ =	sdelay $0xe  }
0x1a: {  	s30 =	spop (v2sf)  }
0x1b: {  	s11 =	sshll.u32 s30, $0x4  }
0x1c: {  	s12 =	simm.s32 $0x1;
	s11 =	sand.u32 $0x1FFFFFF0, s11  }
0x1d: {  	s31 =	sand.u32 $0x30, s12;
	s11 =	sadd.s32 s5, s11  }
0x1e: {  	[tilespmem:s9], [sflag:$0x1] =	stream.linear.gather [hbm4b:s11+s3], $0x80, $0x38;
	[tilespmem:$0x2080] =	vst v63  }
0x1f: {  	s13 =	simm.s32 $0x2;
	s11 =	simm.s32 $0x80;
	v1 =	vld [tilespmem:s31+$0x0]  }
.LBB2_3:
0x20: {  	p0 =	sne.s32 s13, $0x3F  }
0x21: {  	s14 =	sand.u32 $0xF, s12;
	s12 =	smov.u32 s13  }
0x22: {  	v2 =	vmov s14  }
0x23: {  	vm0 =	veq.s32 v2, v0  }
0x24: {  	v1 =	vnsel vm0, $0x0, v1  }
0x25: {  	(xrf0) =	vadd.scan.msk.s32 $0xffff, v1;
	_ =	sdelay $0x5  }
0x26: {  	v1, _, _ =	vpop (xrf0)  }
0x27: {  	(v2sf) =	vpush v1, $0xF;
	_ =	sdelay $0xe  }
0x28: {  	s14 =	spop (v2sf)  }
.Ltmp1:
0x29: {  	s14 =	sshll.u32 s14, $0x4;
	(pc) =	sbr.rel @p0 .LBB2_3-.Ltmp1, $4  }
0x2a: {  	s14 =	sand.u32 $0x1FFFFFF0, s14  }
0x2b: {  	s15 =	sand.u32 $0x30, s13;
	s11 =	sadd.s32 $0x80, s11;
	s14 =	sadd.s32 s5, s14  }
0x2c: {  	[tilespmem:s11], [sflag:$0x1] =	stream.linear.gather [hbm4b:s14+s3], $0x80, $0x38;
	[tilespmem:$0x2080] =	vst v63  }
0x2d: {  	s13 =	sadd.s32 $0x1, s13;
	v1 =	vld [tilespmem:s15+$0x0]  }
0x2e: {  	_ = 	snop  }
0x2f: {  	s12 =	sand.u32 $0xF, s12  }
0x30: {  	v2 =	vmov s12  }
0x31: {  	vm0 =	veq.s32 v2, v0  }
0x32: {  	v1 =	vnsel vm0, $0x0, v1  }
0x33: {  	(xrf0) =	vadd.scan.msk.s32 $0xffff, v1;
	_ =	sdelay $0x5  }
0x34: {  	v1, _, _ =	vpop (xrf0)  }
0x35: {  	(v2sf) =	vpush v1, $0xF;
	_ =	sdelay $0xe  }
0x36: {  	s31 =	spop (v2sf)  }
0x37: {  	s12 =	sshll.u32 s31, $0x4  }
0x38: {  	s12 =	sand.u32 $0x1FFFFFF0, s12  }
0x39: {  	s11 =	sadd.s32 $0x80, s11;
	s12 =	sadd.s32 s5, s12  }
0x3a: {  	[tilespmem:s11], [sflag:$0x1] =	stream.linear.gather [hbm4b:s12+s3], $0x80, $0x38;
	[tilespmem:$0x2080] =	vst v63  }
0x3b: {  	s10 =	sadd.s32 $0x1, s10;
	_ =	swait.ge [sflag:s8], $0x2000  }
0x3c: {  	p0 =	sne.s32 s10, s6;
	[sflag:s8] =	ssyncset.done $0x0  }
.Ltmp2:
0x3d: {  	[sflag:s8] =	ssyncadd.s32 $0xFFFFE000;
	(pc) =	sbr.rel @p0 .LBB2_2-.Ltmp2, $4  }
0x3e: {  	[hbm4b:s2+s3] =	stream.linear.scatter [tilespmem:s9], [sflag:$0x2], $0x2000, $0x38;
	[tilespmem:$0x2080] =	vst v63  }
0x3f: {  	_ =	swait.ge [sflag:s7], $0x2000  }
0x40: {  	[sflag:s7] =	ssyncset.done $0x0  }
0x41: {  	[sflag:s7] =	ssyncadd.s32 $0xFFFFE000  }
.LBB2_5:
0x42: {  	_ =	sfence.sel $0x180000  }
0x43: {  	[bflag:$0x0] =	sbarrier.arrive $0xFFFF  }
0x44: {  	p0 =	sne.s32 s1, $0x0;
	_ =	strace $0x90000047  }
0x45: {  	s0 =	sadd.s32 @!p0 $0x100000, s0;
	[bflag:$0x2] =	sbarrier.arrive $0xFFFF  }
0x46: {  	[sflag:s0] =	ssyncadd.tile.s32 @!p0 $0x1;
	_ =	shalt  }
.Lfunc_end2:
_tile_overlayer_lowered:
.L_overlay_start_2:
0x47: {  	(tag) =	ssettag $0x2  }
0x48: {  	s0 =	rddreg [dreg:$0x0];
	s2 =	stileid.u32  }
0x49: {  	s1 =	rddreg [dreg:$0x1];
	p0 =	sne.s32 s2, $0x0  }
0x4a: {  	s3 =	rddreg [dreg:$0x2];
	[bflag:$0x3] =	sbarrier.arrive $0xFFFF;
	s2 =	simm.s32 @!p0 $0x1C02  }
0x4b: {  	[timem:s3], [sflag:s2] =	dma.local @!p0 [hbm:s0], s1  }
0x4c: {  	s0 =	simm.s32 @!p0 $0x2  }
0x4d: {  	_ =	swait.ge @!p0 [sflag:s0], s1  }
0x4e: {  	s1 =	ssub.s32 @!p0 $0x0, s1;
	[sflag:s0] =	ssyncset.done @!p0 $0x0  }
0x4f: {  	[sflag:s0] =	ssyncadd.s32 @!p0 s1  }
0x50: {  	[bflag:$0x3] =	sbarrier.arrive $0xFFFF  }
0x51: {  	_ =	shalt  }

</sc_bundles>
